<compile_context>
chip_gen: v7x
topology: tpu7x:2x2x1
jax: 0.10.2.dev20260603
libtpu: 0.0.44.dev20260713+nightly
codegen_flags: <defaults>
</compile_context>

<pallas_src>
import functools

import jax
import jax.numpy as jnp
from jax import lax
from jax.experimental import pallas as pl
from jax.experimental.pallas import tpu as pltpu
from jax.experimental.pallas import tpu_sc as plsc

VOCAB = 100000
DIM = 128
BATCH = 4096
NPAIR = 51
NTGT = NPAIR - 1
NPAD = 52
OPAD = 64
EPS_DIST = 1e-7

NLANE = 16
NCHUNKS_D = DIM // NLANE
NGROUP = OPAD // NLANE

NWORKER = 32
ROWS_PER_W = BATCH // NWORKER
CB = 2
CHUNK_IDX = CB * NPAD
NCHUNK = ROWS_PER_W // CB
IDX_PER_W = ROWS_PER_W * NPAD


NBUF = 4


def _sc_body(idx_hbm, w_hbm, out_hbm, idx_v,
             buf0, buf1, buf2, buf3, out_v, sem0, sem1, sem2, sem3):
    wid = lax.axis_index("s") * 2 + lax.axis_index("c")
    ibase = pl.multiple_of(wid * IDX_PER_W, 8)
    pltpu.sync_copy(idx_hbm.at[pl.ds(ibase, IDX_PER_W)], idx_v)
    lane = lax.iota(jnp.int32, NLANE)
    bufs = (buf0, buf1, buf2, buf3)
    sems = (sem0, sem1, sem2, sem3)

    def gather(c, slot, start):
        off = pl.multiple_of(c * CHUNK_IDX, 8)
        cp = pltpu.make_async_copy(
            w_hbm.at[idx_v.at[pl.ds(off, CHUNK_IDX)]], bufs[slot], sems[slot])
        if start:
            cp.start()
        else:
            cp.wait()

    def compute_pair(buf, s_k, orow):
        o_k = [buf[orow, pl.ds(k * NLANE, NLANE)] for k in range(NCHUNKS_D)]
        so2_v = o_k[0] * o_k[0]
        dot_v = s_k[0] * o_k[0]
        for k in range(1, NCHUNKS_D):
            so2_v = so2_v + o_k[k] * o_k[k]
            dot_v = dot_v + s_k[k] * o_k[k]
        return jnp.sum(so2_v), jnp.sum(dot_v)

    def emit_group(ss2, so2_l, dot_l, orow_out, g):
        d2_v = ss2 + so2_l - 2.0 * dot_l
        den_v = jnp.maximum((1.0 - ss2) * (1.0 - so2_l), EPS_DIST)
        out_v[orow_out, pl.ds(g * NLANE, NLANE)] = 1.0 + 2.0 * d2_v / den_v

    for p in range(NBUF - 1):
        gather(p, p, True)

    def outer_body(cc, carry):
        for slot in range(NBUF):
            c = cc * NBUF + slot
            buf = bufs[slot]
            gather(jnp.minimum(c + NBUF - 1, NCHUNK - 1),
                   (slot + NBUF - 1) % NBUF, True)
            gather(c, slot, False)
            for r in range(0):
                base_row = r * NPAD
                s_k = [buf[base_row, pl.ds(k * NLANE, NLANE)]
                       for k in range(NCHUNKS_D)]
                ss2_v = s_k[0] * s_k[0]
                for k in range(1, NCHUNKS_D):
                    ss2_v = ss2_v + s_k[k] * s_k[k]
                ss2 = jnp.sum(ss2_v)
                orow_out = c * CB + r
                zeros = jnp.zeros((NLANE,), jnp.float32)

                for g in range(3):
                    def pair_body(tl, carry_v):
                        so2_l, dot_l = carry_v
                        so2, dot = compute_pair(
                            buf, s_k, base_row + 1 + g * NLANE + tl)
                        m = lane == tl
                        return (jnp.where(m, so2, so2_l),
                                jnp.where(m, dot, dot_l))

                    so2_l, dot_l = lax.fori_loop(0, NLANE, pair_body,
                                                 (zeros, zeros), unroll=4)
                    emit_group(ss2, so2_l, dot_l, orow_out, g)

                so2_l, dot_l = zeros, zeros
                for tl in range(NTGT - 3 * NLANE):
                    so2, dot = compute_pair(
                        buf, s_k, base_row + 1 + 3 * NLANE + tl)
                    m = lane == tl
                    so2_l = jnp.where(m, so2, so2_l)
                    dot_l = jnp.where(m, dot, dot_l)
                emit_group(ss2, so2_l, dot_l, orow_out, 3)
        return carry

    lax.fori_loop(0, NCHUNK // NBUF, outer_body, 0)
    for p in range(NBUF - 1):
        gather(NCHUNK - 1, p, False)
    obase = pl.multiple_of(wid * ROWS_PER_W, 8)
    pltpu.sync_copy(out_v, out_hbm.at[pl.ds(obase, ROWS_PER_W)])


_sc_kernel = functools.partial(
    pl.kernel,
    mesh=plsc.VectorSubcoreMesh(core_axis_name="c", subcore_axis_name="s"),
    compiler_params=pltpu.CompilerParams(needs_layout_passes=False),
    out_type=jax.ShapeDtypeStruct((BATCH, OPAD), jnp.float32),
    scratch_types=[
        pltpu.VMEM((IDX_PER_W,), jnp.int32),
        pltpu.VMEM((CHUNK_IDX, DIM), jnp.float32),
        pltpu.VMEM((CHUNK_IDX, DIM), jnp.float32),
        pltpu.VMEM((CHUNK_IDX, DIM), jnp.float32),
        pltpu.VMEM((CHUNK_IDX, DIM), jnp.float32),
        pltpu.VMEM((ROWS_PER_W, OPAD), jnp.float32),
        pltpu.SemaphoreType.DMA,
        pltpu.SemaphoreType.DMA,
        pltpu.SemaphoreType.DMA,
        pltpu.SemaphoreType.DMA,
    ],
)(_sc_body)


def _acosh_body(x_ref, o_ref):
    x = jnp.maximum(x_ref[...], 1.0 + EPS_DIST)
    o_ref[...] = jnp.log(x + jnp.sqrt((x - 1.0) * (x + 1.0)))


def _acosh_tc(x):
    return pl.pallas_call(
        _acosh_body,
        out_shape=jax.ShapeDtypeStruct(x.shape, jnp.float32),
    )(x)


def kernel(inputs, weight):
    inputs = inputs.astype(jnp.int32)
    idx = jnp.concatenate(
        [inputs, inputs[:, :NPAD - NPAIR]],
        axis=1,
    ).reshape(-1)
    args = _sc_kernel(idx, weight)
    out = _acosh_tc(args.reshape(BATCH * OPAD // DIM, DIM))
    return out.reshape(BATCH, OPAD)[:, :NTGT]

# --- scband reference (transcript-rebuilt; emitter-appended) ---
"""Pipeline reference for scband-mcenergy-function-50586124812832 (READ-ONLY COPY).

The authoritative reference and input builder live on the scoring server;
editing this copy changes nothing except your own understanding.
"""

import jax, jax.numpy as jnp
import numpy as np

VOCAB = 100000
DIM = 128
BATCH = 4096
NPAIR = 51  # 1 source + 50 targets
EPS_PROJ = 1e-5
EPS_DIST = 1e-7


def setup_inputs(seed: int = 0) -> dict:
    key = jax.random.key(seed)
    k1, k2 = jax.random.split(key)
    inputs = jax.random.randint(k1, (BATCH, NPAIR), 0, VOCAB, dtype=jnp.int64 if jax.config.read('jax_enable_x64') else jnp.int32).astype(jnp.int32)
    # Poincare embeddings are initialized uniformly in a tiny ball (HTorch init_weights)
    weight = jax.random.uniform(k2, (VOCAB, DIM), minval=-1e-3, maxval=1e-3, dtype=jnp.float32)
    return {"inputs": inputs, "weight": weight}


def _proj(x):
    # project onto the open Poincare ball (norm < 1 - eps), as e.proj_()
    norm = jnp.sqrt(jnp.sum(x * x, axis=-1, keepdims=True))
    maxnorm = 1.0 - EPS_PROJ
    scale = jnp.where(norm > maxnorm, maxnorm / jnp.maximum(norm, EPS_DIST), 1.0)
    return x * scale


def _poincare_dist(u, v):
    # curvature = -1.0 Poincare ball distance:
    # d(u,v) = arccosh(1 + 2||u-v||^2 / ((1-||u||^2)(1-||v||^2)))
    sq_uv = jnp.sum((u - v) ** 2, axis=-1)
    sq_u = jnp.sum(u * u, axis=-1)
    sq_v = jnp.sum(v * v, axis=-1)
    den = jnp.maximum((1.0 - sq_u) * (1.0 - sq_v), EPS_DIST)
    arg = 1.0 + 2.0 * sq_uv / den
    return jnp.arccosh(jnp.maximum(arg, 1.0 + EPS_DIST))


def reference(inputs, weight):
    # embedding lookup: e = self.lt(inputs) -> [B, n, d]
    e = jnp.take(weight, inputs, axis=0)
    # in-place projection under no_grad (value-level in fwd)
    e = _proj(e)
    # o = e.narrow(1, 1, n-1); s = e.narrow(1, 0, 1).expand_as(o)
    o = e[:, 1:, :]
    s = jnp.broadcast_to(e[:, :1, :], o.shape)
    # o.Hdist(s).squeeze(-1) -> [B, n-1]
    return _poincare_dist(o, s)

if __name__ == "__main__":
    import jax
    _d = setup_inputs()
    print(jax.jit(kernel)(*tuple(_d.values())))

</pallas_src>

<mosaic_0001>
#map = affine_map<(d0, d1) -> (0)>
#map1 = affine_map<(d0, d1) -> (0, 0)>
module attributes {stable_mosaic.version = 14 : i64} {
  func.func @_sc_body(%arg0: i32, %arg1: i32, %arg2: memref<212992xi32, #tpu.memory_space<hbm>>, %arg3: memref<100000x128xf32, #tpu.memory_space<hbm>>, %arg4: memref<4096x64xf32, #tpu.memory_space<hbm>>, %arg5: memref<6656xi32, #tpu.memory_space<vmem>>, %arg6: memref<104x128xf32, #tpu.memory_space<vmem>>, %arg7: memref<104x128xf32, #tpu.memory_space<vmem>>, %arg8: memref<104x128xf32, #tpu.memory_space<vmem>>, %arg9: memref<104x128xf32, #tpu.memory_space<vmem>>, %arg10: memref<128x64xf32, #tpu.memory_space<vmem>>, %arg11: memref<!tpu.dma_semaphore, #tpu.memory_space<semaphore_mem>>, %arg12: memref<!tpu.dma_semaphore, #tpu.memory_space<semaphore_mem>>, %arg13: memref<!tpu.dma_semaphore, #tpu.memory_space<semaphore_mem>>, %arg14: memref<!tpu.dma_semaphore, #tpu.memory_space<semaphore_mem>>) attributes {dimension_semantics = [#tpu.dimension_semantics<core_parallel>, #tpu.dimension_semantics<subcore_parallel>], iteration_bounds = array<i64: 2, 16>, scalar_prefetch = 0 : i64, scratch_operands = 10 : i64, tpu.core_type = #tpu.core_type<sc_vector_subcore>, window_params = [{transform_indices = #map}, {transform_indices = #map1}, {transform_indices = #map1}]} {
    %mul3A = arith.constant 2 : i32
    %mul3A_0 = arith.muli %arg1, %mul3A : i32
    %add3A = arith.addi %mul3A_0, %arg0 : i32
    %mul3A_1 = arith.constant 6656 : i32
    %mul3A_2 = arith.muli %add3A, %mul3A_1 : i32
    %multiple_of3A = tpu.assume_multiple %mul3A_2, 8 : i32
    "tpu.region"() ({
      %run_scoped3A = tpu.sem_alloc : memref<!tpu.dma_semaphore, #tpu.memory_space<semaphore_mem>>
      %dma_start3A_45 = tpu.memref_slice %arg2[%multiple_of3A] : memref<212992xi32, #tpu.memory_space<hbm>> -> memref<6656xi32, #tpu.memory_space<hbm>>
      %dma_start3A_46 = tpu.memref_slice %arg2[%multiple_of3A] : memref<212992xi32, #tpu.memory_space<hbm>> -> memref<6656xi32, #tpu.memory_space<hbm>>
      tpu.enqueue_dma source(%dma_start3A_46 : memref<6656xi32, #tpu.memory_space<hbm>>) target(%arg5 : memref<6656xi32, #tpu.memory_space<vmem>>) target_semaphore(%run_scoped3A : memref<!tpu.dma_semaphore, #tpu.memory_space<semaphore_mem>>)
      %dma_wait3A_47 = tpu.memref_slice %arg2[%multiple_of3A] : memref<212992xi32, #tpu.memory_space<hbm>> -> memref<6656xi32, #tpu.memory_space<hbm>>
      %dma_wait3A_48 = tpu.memref_slice %arg2[%multiple_of3A] : memref<212992xi32, #tpu.memory_space<hbm>> -> memref<6656xi32, #tpu.memory_space<hbm>>
      tpu.wait_dma2 semaphore(%run_scoped3A : memref<!tpu.dma_semaphore, #tpu.memory_space<semaphore_mem>>) src(%dma_wait3A_48 : memref<6656xi32, #tpu.memory_space<hbm>>) dst(%arg5 : memref<6656xi32, #tpu.memory_space<vmem>>)
      tpu.yield
    }) : () -> ()
    %iota3A = tpu.iota {dimensions = array<i32: 0>} : vector<16xi32>
    %multiple_of3A_3 = arith.constant 0 : i32
    %multiple_of3A_4 = tpu.assume_multiple %multiple_of3A_3, 8 : i32
    %dma_start3A = tpu.memref_slice %arg5[%multiple_of3A_4] : memref<6656xi32, #tpu.memory_space<vmem>> -> memref<104xi32, #tpu.memory_space<vmem>>
    %dma_start3A_5 = arith.constant 0 : i32
    %dma_start3A_6 = arith.constant 0 : i32
    %dma_start3A_7 = tpu.memref_slice %arg3[%dma_start3A_5, %dma_start3A_6] : memref<100000x128xf32, #tpu.memory_space<hbm>> -> memref<100000x128xf32, #tpu.memory_space<hbm>>
    tpu.enqueue_indirect_dma source(%dma_start3A_7 : memref<100000x128xf32, #tpu.memory_space<hbm>>) target(%arg6 : memref<104x128xf32, #tpu.memory_space<vmem>>) offsets(%dma_start3A : memref<104xi32, #tpu.memory_space<vmem>>) semaphore(%arg11 : memref<!tpu.dma_semaphore, #tpu.memory_space<semaphore_mem>>)
    %multiple_of3A_8 = arith.constant 104 : i32
    %multiple_of3A_9 = tpu.assume_multiple %multiple_of3A_8, 8 : i32
    %dma_start3A_10 = tpu.memref_slice %arg5[%multiple_of3A_9] : memref<6656xi32, #tpu.memory_space<vmem>> -> memref<104xi32, #tpu.memory_space<vmem>>
    %dma_start3A_11 = arith.constant 0 : i32
    %dma_start3A_12 = arith.constant 0 : i32
    %dma_start3A_13 = tpu.memref_slice %arg3[%dma_start3A_11, %dma_start3A_12] : memref<100000x128xf32, #tpu.memory_space<hbm>> -> memref<100000x128xf32, #tpu.memory_space<hbm>>
    tpu.enqueue_indirect_dma source(%dma_start3A_13 : memref<100000x128xf32, #tpu.memory_space<hbm>>) target(%arg7 : memref<104x128xf32, #tpu.memory_space<vmem>>) offsets(%dma_start3A_10 : memref<104xi32, #tpu.memory_space<vmem>>) semaphore(%arg12 : memref<!tpu.dma_semaphore, #tpu.memory_space<semaphore_mem>>)
    %multiple_of3A_14 = arith.constant 208 : i32
    %multiple_of3A_15 = tpu.assume_multiple %multiple_of3A_14, 8 : i32
    %dma_start3A_16 = tpu.memref_slice %arg5[%multiple_of3A_15] : memref<6656xi32, #tpu.memory_space<vmem>> -> memref<104xi32, #tpu.memory_space<vmem>>
    %dma_start3A_17 = arith.constant 0 : i32
    %dma_start3A_18 = arith.constant 0 : i32
    %dma_start3A_19 = tpu.memref_slice %arg3[%dma_start3A_17, %dma_start3A_18] : memref<100000x128xf32, #tpu.memory_space<hbm>> -> memref<100000x128xf32, #tpu.memory_space<hbm>>
    tpu.enqueue_indirect_dma source(%dma_start3A_19 : memref<100000x128xf32, #tpu.memory_space<hbm>>) target(%arg8 : memref<104x128xf32, #tpu.memory_space<vmem>>) offsets(%dma_start3A_16 : memref<104xi32, #tpu.memory_space<vmem>>) semaphore(%arg13 : memref<!tpu.dma_semaphore, #tpu.memory_space<semaphore_mem>>)
    %scan3A = arith.constant 0 : i32
    %scan3A_20 = arith.constant 0 : i32
    %scan3A_21 = arith.constant 16 : i32
    %scan3A_22 = arith.addi %scan3A_20, %scan3A_21 : i32
    %scan3A_23 = arith.constant 1 : i32
    scf.for %scan3A_45 = %scan3A_20 to %scan3A_22 step %scan3A_23  : i32 {
      %mul3A_46 = arith.constant 4 : i32
      %mul3A_47 = arith.muli %scan3A_45, %mul3A_46 : i32
      %add3A_48 = arith.constant 0 : i32
      %add3A_49 = arith.addi %mul3A_47, %add3A_48 : i32
      %add3A_50 = arith.constant 4 : i32
      %add3A_51 = arith.addi %add3A_49, %add3A_50 : i32
      %sub3A = arith.constant 1 : i32
      %sub3A_52 = arith.subi %add3A_51, %sub3A : i32
      %min3A = arith.constant 63 : i32
      %min3A_53 = arith.minsi %sub3A_52, %min3A : i32
      %mul3A_54 = arith.constant 104 : i32
      %mul3A_55 = arith.muli %min3A_53, %mul3A_54 : i32
      %multiple_of3A_56 = tpu.assume_multiple %mul3A_55, 8 : i32
      %dma_start3A_57 = tpu.memref_slice %arg5[%multiple_of3A_56] : memref<6656xi32, #tpu.memory_space<vmem>> -> memref<104xi32, #tpu.memory_space<vmem>>
      %dma_start3A_58 = arith.constant 0 : i32
      %dma_start3A_59 = arith.constant 0 : i32
      %dma_start3A_60 = tpu.memref_slice %arg3[%dma_start3A_58, %dma_start3A_59] : memref<100000x128xf32, #tpu.memory_space<hbm>> -> memref<100000x128xf32, #tpu.memory_space<hbm>>
      tpu.enqueue_indirect_dma source(%dma_start3A_60 : memref<100000x128xf32, #tpu.memory_space<hbm>>) target(%arg9 : memref<104x128xf32, #tpu.memory_space<vmem>>) offsets(%dma_start3A_57 : memref<104xi32, #tpu.memory_space<vmem>>) semaphore(%arg14 : memref<!tpu.dma_semaphore, #tpu.memory_space<semaphore_mem>>)
      %mul3A_61 = arith.constant 104 : i32
      %mul3A_62 = arith.muli %add3A_49, %mul3A_61 : i32
      %multiple_of3A_63 = tpu.assume_multiple %mul3A_62, 8 : i32
      %dma_wait3A_64 = tpu.memref_slice %arg5[%multiple_of3A_63] : memref<6656xi32, #tpu.memory_space<vmem>> -> memref<104xi32, #tpu.memory_space<vmem>>
      %dma_wait3A_65 = arith.constant 0 : i32
      %dma_wait3A_66 = arith.constant 0 : i32
      %dma_wait3A_67 = tpu.memref_slice %arg3[%dma_wait3A_65, %dma_wait3A_66] : memref<100000x128xf32, #tpu.memory_space<hbm>> -> memref<100000x128xf32, #tpu.memory_space<hbm>>
      tpu.wait_indirect_dma semaphore(%arg11 : memref<!tpu.dma_semaphore, #tpu.memory_space<semaphore_mem>>) src(%dma_wait3A_67 : memref<100000x128xf32, #tpu.memory_space<hbm>>) dst(%arg6 : memref<104x128xf32, #tpu.memory_space<vmem>>)
      %mul3A_68 = arith.constant 4 : i32
      %mul3A_69 = arith.muli %scan3A_45, %mul3A_68 : i32
      %add3A_70 = arith.constant 1 : i32
      %add3A_71 = arith.addi %mul3A_69, %add3A_70 : i32
      %add3A_72 = arith.constant 4 : i32
      %add3A_73 = arith.addi %add3A_71, %add3A_72 : i32
      %sub3A_74 = arith.constant 1 : i32
      %sub3A_75 = arith.subi %add3A_73, %sub3A_74 : i32
      %min3A_76 = arith.constant 63 : i32
      %min3A_77 = arith.minsi %sub3A_75, %min3A_76 : i32
      %mul3A_78 = arith.constant 104 : i32
      %mul3A_79 = arith.muli %min3A_77, %mul3A_78 : i32
      %multiple_of3A_80 = tpu.assume_multiple %mul3A_79, 8 : i32
      %dma_start3A_81 = tpu.memref_slice %arg5[%multiple_of3A_80] : memref<6656xi32, #tpu.memory_space<vmem>> -> memref<104xi32, #tpu.memory_space<vmem>>
      %dma_start3A_82 = arith.constant 0 : i32
      %dma_start3A_83 = arith.constant 0 : i32
      %dma_start3A_84 = tpu.memref_slice %arg3[%dma_start3A_82, %dma_start3A_83] : memref<100000x128xf32, #tpu.memory_space<hbm>> -> memref<100000x128xf32, #tpu.memory_space<hbm>>
      tpu.enqueue_indirect_dma source(%dma_start3A_84 : memref<100000x128xf32, #tpu.memory_space<hbm>>) target(%arg6 : memref<104x128xf32, #tpu.memory_space<vmem>>) offsets(%dma_start3A_81 : memref<104xi32, #tpu.memory_space<vmem>>) semaphore(%arg11 : memref<!tpu.dma_semaphore, #tpu.memory_space<semaphore_mem>>)
      %mul3A_85 = arith.constant 104 : i32
      %mul3A_86 = arith.muli %add3A_71, %mul3A_85 : i32
      %multiple_of3A_87 = tpu.assume_multiple %mul3A_86, 8 : i32
      %dma_wait3A_88 = tpu.memref_slice %arg5[%multiple_of3A_87] : memref<6656xi32, #tpu.memory_space<vmem>> -> memref<104xi32, #tpu.memory_space<vmem>>
      %dma_wait3A_89 = arith.constant 0 : i32
      %dma_wait3A_90 = arith.constant 0 : i32
      %dma_wait3A_91 = tpu.memref_slice %arg3[%dma_wait3A_89, %dma_wait3A_90] : memref<100000x128xf32, #tpu.memory_space<hbm>> -> memref<100000x128xf32, #tpu.memory_space<hbm>>
      tpu.wait_indirect_dma semaphore(%arg12 : memref<!tpu.dma_semaphore, #tpu.memory_space<semaphore_mem>>) src(%dma_wait3A_91 : memref<100000x128xf32, #tpu.memory_space<hbm>>) dst(%arg7 : memref<104x128xf32, #tpu.memory_space<vmem>>)
      %mul3A_92 = arith.constant 4 : i32
      %mul3A_93 = arith.muli %scan3A_45, %mul3A_92 : i32
      %add3A_94 = arith.constant 2 : i32
      %add3A_95 = arith.addi %mul3A_93, %add3A_94 : i32
      %add3A_96 = arith.constant 4 : i32
      %add3A_97 = arith.addi %add3A_95, %add3A_96 : i32
      %sub3A_98 = arith.constant 1 : i32
      %sub3A_99 = arith.subi %add3A_97, %sub3A_98 : i32
      %min3A_100 = arith.constant 63 : i32
      %min3A_101 = arith.minsi %sub3A_99, %min3A_100 : i32
      %mul3A_102 = arith.constant 104 : i32
      %mul3A_103 = arith.muli %min3A_101, %mul3A_102 : i32
      %multiple_of3A_104 = tpu.assume_multiple %mul3A_103, 8 : i32
      %dma_start3A_105 = tpu.memref_slice %arg5[%multiple_of3A_104] : memref<6656xi32, #tpu.memory_space<vmem>> -> memref<104xi32, #tpu.memory_space<vmem>>
      %dma_start3A_106 = arith.constant 0 : i32
      %dma_start3A_107 = arith.constant 0 : i32
      %dma_start3A_108 = tpu.memref_slice %arg3[%dma_start3A_106, %dma_start3A_107] : memref<100000x128xf32, #tpu.memory_space<hbm>> -> memref<100000x128xf32, #tpu.memory_space<hbm>>
      tpu.enqueue_indirect_dma source(%dma_start3A_108 : memref<100000x128xf32, #tpu.memory_space<hbm>>) target(%arg7 : memref<104x128xf32, #tpu.memory_space<vmem>>) offsets(%dma_start3A_105 : memref<104xi32, #tpu.memory_space<vmem>>) semaphore(%arg12 : memref<!tpu.dma_semaphore, #tpu.memory_space<semaphore_mem>>)
      %mul3A_109 = arith.constant 104 : i32
      %mul3A_110 = arith.muli %add3A_95, %mul3A_109 : i32
      %multiple_of3A_111 = tpu.assume_multiple %mul3A_110, 8 : i32
      %dma_wait3A_112 = tpu.memref_slice %arg5[%multiple_of3A_111] : memref<6656xi32, #tpu.memory_space<vmem>> -> memref<104xi32, #tpu.memory_space<vmem>>
      %dma_wait3A_113 = arith.constant 0 : i32
      %dma_wait3A_114 = arith.constant 0 : i32
      %dma_wait3A_115 = tpu.memref_slice %arg3[%dma_wait3A_113, %dma_wait3A_114] : memref<100000x128xf32, #tpu.memory_space<hbm>> -> memref<100000x128xf32, #tpu.memory_space<hbm>>
      tpu.wait_indirect_dma semaphore(%arg13 : memref<!tpu.dma_semaphore, #tpu.memory_space<semaphore_mem>>) src(%dma_wait3A_115 : memref<100000x128xf32, #tpu.memory_space<hbm>>) dst(%arg8 : memref<104x128xf32, #tpu.memory_space<vmem>>)
      %mul3A_116 = arith.constant 4 : i32
      %mul3A_117 = arith.muli %scan3A_45, %mul3A_116 : i32
      %add3A_118 = arith.constant 3 : i32
      %add3A_119 = arith.addi %mul3A_117, %add3A_118 : i32
      %add3A_120 = arith.constant 4 : i32
      %add3A_121 = arith.addi %add3A_119, %add3A_120 : i32
      %sub3A_122 = arith.constant 1 : i32
      %sub3A_123 = arith.subi %add3A_121, %sub3A_122 : i32
      %min3A_124 = arith.constant 63 : i32
      %min3A_125 = arith.minsi %sub3A_123, %min3A_124 : i32
      %mul3A_126 = arith.constant 104 : i32
      %mul3A_127 = arith.muli %min3A_125, %mul3A_126 : i32
      %multiple_of3A_128 = tpu.assume_multiple %mul3A_127, 8 : i32
      %dma_start3A_129 = tpu.memref_slice %arg5[%multiple_of3A_128] : memref<6656xi32, #tpu.memory_space<vmem>> -> memref<104xi32, #tpu.memory_space<vmem>>
      %dma_start3A_130 = arith.constant 0 : i32
      %dma_start3A_131 = arith.constant 0 : i32
      %dma_start3A_132 = tpu.memref_slice %arg3[%dma_start3A_130, %dma_start3A_131] : memref<100000x128xf32, #tpu.memory_space<hbm>> -> memref<100000x128xf32, #tpu.memory_space<hbm>>
      tpu.enqueue_indirect_dma source(%dma_start3A_132 : memref<100000x128xf32, #tpu.memory_space<hbm>>) target(%arg8 : memref<104x128xf32, #tpu.memory_space<vmem>>) offsets(%dma_start3A_129 : memref<104xi32, #tpu.memory_space<vmem>>) semaphore(%arg13 : memref<!tpu.dma_semaphore, #tpu.memory_space<semaphore_mem>>)
      %mul3A_133 = arith.constant 104 : i32
      %mul3A_134 = arith.muli %add3A_119, %mul3A_133 : i32
      %multiple_of3A_135 = tpu.assume_multiple %mul3A_134, 8 : i32
      %dma_wait3A_136 = tpu.memref_slice %arg5[%multiple_of3A_135] : memref<6656xi32, #tpu.memory_space<vmem>> -> memref<104xi32, #tpu.memory_space<vmem>>
      %dma_wait3A_137 = arith.constant 0 : i32
      %dma_wait3A_138 = arith.constant 0 : i32
      %dma_wait3A_139 = tpu.memref_slice %arg3[%dma_wait3A_137, %dma_wait3A_138] : memref<100000x128xf32, #tpu.memory_space<hbm>> -> memref<100000x128xf32, #tpu.memory_space<hbm>>
      tpu.wait_indirect_dma semaphore(%arg14 : memref<!tpu.dma_semaphore, #tpu.memory_space<semaphore_mem>>) src(%dma_wait3A_139 : memref<100000x128xf32, #tpu.memory_space<hbm>>) dst(%arg9 : memref<104x128xf32, #tpu.memory_space<vmem>>)
    }
    %scan3A_24 = arith.constant 16 : i32
    %multiple_of3A_25 = arith.constant 6552 : i32
    %multiple_of3A_26 = tpu.assume_multiple %multiple_of3A_25, 8 : i32
    %dma_wait3A = tpu.memref_slice %arg5[%multiple_of3A_26] : memref<6656xi32, #tpu.memory_space<vmem>> -> memref<104xi32, #tpu.memory_space<vmem>>
    %dma_wait3A_27 = arith.constant 0 : i32
    %dma_wait3A_28 = arith.constant 0 : i32
    %dma_wait3A_29 = tpu.memref_slice %arg3[%dma_wait3A_27, %dma_wait3A_28] : memref<100000x128xf32, #tpu.memory_space<hbm>> -> memref<100000x128xf32, #tpu.memory_space<hbm>>
    tpu.wait_indirect_dma semaphore(%arg11 : memref<!tpu.dma_semaphore, #tpu.memory_space<semaphore_mem>>) src(%dma_wait3A_29 : memref<100000x128xf32, #tpu.memory_space<hbm>>) dst(%arg6 : memref<104x128xf32, #tpu.memory_space<vmem>>)
    %multiple_of3A_30 = arith.constant 6552 : i32
    %multiple_of3A_31 = tpu.assume_multiple %multiple_of3A_30, 8 : i32
    %dma_wait3A_32 = tpu.memref_slice %arg5[%multiple_of3A_31] : memref<6656xi32, #tpu.memory_space<vmem>> -> memref<104xi32, #tpu.memory_space<vmem>>
    %dma_wait3A_33 = arith.constant 0 : i32
    %dma_wait3A_34 = arith.constant 0 : i32
    %dma_wait3A_35 = tpu.memref_slice %arg3[%dma_wait3A_33, %dma_wait3A_34] : memref<100000x128xf32, #tpu.memory_space<hbm>> -> memref<100000x128xf32, #tpu.memory_space<hbm>>
    tpu.wait_indirect_dma semaphore(%arg12 : memref<!tpu.dma_semaphore, #tpu.memory_space<semaphore_mem>>) src(%dma_wait3A_35 : memref<100000x128xf32, #tpu.memory_space<hbm>>) dst(%arg7 : memref<104x128xf32, #tpu.memory_space<vmem>>)
    %multiple_of3A_36 = arith.constant 6552 : i32
    %multiple_of3A_37 = tpu.assume_multiple %multiple_of3A_36, 8 : i32
    %dma_wait3A_38 = tpu.memref_slice %arg5[%multiple_of3A_37] : memref<6656xi32, #tpu.memory_space<vmem>> -> memref<104xi32, #tpu.memory_space<vmem>>
    %dma_wait3A_39 = arith.constant 0 : i32
    %dma_wait3A_40 = arith.constant 0 : i32
    %dma_wait3A_41 = tpu.memref_slice %arg3[%dma_wait3A_39, %dma_wait3A_40] : memref<100000x128xf32, #tpu.memory_space<hbm>> -> memref<100000x128xf32, #tpu.memory_space<hbm>>
    tpu.wait_indirect_dma semaphore(%arg13 : memref<!tpu.dma_semaphore, #tpu.memory_space<semaphore_mem>>) src(%dma_wait3A_41 : memref<100000x128xf32, #tpu.memory_space<hbm>>) dst(%arg8 : memref<104x128xf32, #tpu.memory_space<vmem>>)
    %mul3A_42 = arith.constant 128 : i32
    %mul3A_43 = arith.muli %add3A, %mul3A_42 : i32
    %multiple_of3A_44 = tpu.assume_multiple %mul3A_43, 8 : i32
    "tpu.region"() ({
      %run_scoped3A = tpu.sem_alloc : memref<!tpu.dma_semaphore, #tpu.memory_space<semaphore_mem>>
      %dma_start3A_45 = arith.constant 0 : i32
      %dma_start3A_46 = tpu.memref_slice %arg4[%multiple_of3A_44, %dma_start3A_45] : memref<4096x64xf32, #tpu.memory_space<hbm>> -> memref<128x64xf32, #tpu.memory_space<hbm>>
      %dma_start3A_47 = arith.constant 0 : i32
      %dma_start3A_48 = tpu.memref_slice %arg4[%multiple_of3A_44, %dma_start3A_47] : memref<4096x64xf32, #tpu.memory_space<hbm>> -> memref<128x64xf32, #tpu.memory_space<hbm>>
      tpu.enqueue_dma source(%arg10 : memref<128x64xf32, #tpu.memory_space<vmem>>) target(%dma_start3A_48 : memref<128x64xf32, #tpu.memory_space<hbm>>) target_semaphore(%run_scoped3A : memref<!tpu.dma_semaphore, #tpu.memory_space<semaphore_mem>>)
      %dma_wait3A_49 = arith.constant 0 : i32
      %dma_wait3A_50 = tpu.memref_slice %arg4[%multiple_of3A_44, %dma_wait3A_49] : memref<4096x64xf32, #tpu.memory_space<hbm>> -> memref<128x64xf32, #tpu.memory_space<hbm>>
      %dma_wait3A_51 = arith.constant 0 : i32
      %dma_wait3A_52 = tpu.memref_slice %arg4[%multiple_of3A_44, %dma_wait3A_51] : memref<4096x64xf32, #tpu.memory_space<hbm>> -> memref<128x64xf32, #tpu.memory_space<hbm>>
      tpu.wait_dma2 semaphore(%run_scoped3A : memref<!tpu.dma_semaphore, #tpu.memory_space<semaphore_mem>>) src(%arg10 : memref<128x64xf32, #tpu.memory_space<vmem>>) dst(%dma_wait3A_52 : memref<128x64xf32, #tpu.memory_space<hbm>>)
      tpu.yield
    }) : () -> ()
    return
  }
}

module attributes {stable_mosaic.version = 14 : i64} {
  func.func @_acosh_body(%arg0: memref<2048x128xf32, #tpu.memory_space<vmem>>, %arg1: memref<2048x128xf32, #tpu.memory_space<vmem>>) attributes {dimension_semantics = [], scalar_prefetch = 0 : i64, scratch_operands = 0 : i64, tpu.core_type = #tpu.core_type<tc>} {
    %get3A = arith.constant 0 : index
    %get3A_0 = arith.constant 0 : index
    %get3A_1 = vector.load %arg0[%get3A, %get3A_0] : memref<2048x128xf32, #tpu.memory_space<vmem>>, vector<2048x128xf32>
    %max3A = arith.constant 1.00000012 : f32
    %max3A_2 = vector.broadcast %max3A : f32 to vector<2048x128xf32>
    %max3A_3 = arith.maximumf %get3A_1, %max3A_2 : vector<2048x128xf32>
    %sub3A = arith.constant 1.000000e+00 : f32
    %sub3A_4 = vector.broadcast %sub3A : f32 to vector<2048x128xf32>
    %sub3A_5 = arith.subf %max3A_3, %sub3A_4 : vector<2048x128xf32>
    %add3A = arith.constant 1.000000e+00 : f32
    %add3A_6 = vector.broadcast %add3A : f32 to vector<2048x128xf32>
    %add3A_7 = arith.addf %max3A_3, %add3A_6 : vector<2048x128xf32>
    %mul3A = arith.mulf %sub3A_5, %add3A_7 : vector<2048x128xf32>
    %sqrt3A = math.sqrt %mul3A : vector<2048x128xf32>
    %add3A_8 = arith.addf %max3A_3, %sqrt3A : vector<2048x128xf32>
    %log3A = math.log %add3A_8 : vector<2048x128xf32>
    %swap3A = arith.constant 0 : index
    %swap3A_9 = arith.constant 0 : index
    %swap3A_10 = vector.load %arg1[%swap3A, %swap3A_9] : memref<2048x128xf32, #tpu.memory_space<vmem>>, vector<2048x128xf32>
    tpu.vector_store %arg1[%swap3A, %swap3A_9], %log3A {strides = array<i32>} : memref<2048x128xf32, #tpu.memory_space<vmem>>, vector<2048x128xf32>,
    return
  }
}

</mosaic_0001>

<sc_bundles>
// kernel: kernel.4.cloned.1.call-start
scs
__scs_entry_jumppad:
0x0: {  	(pc) =	sbr.rel $0x88, $3  }
0x1: {  	(tag) =	ssettag $0x0;
	lr =	simm.s32 $0x1  }
0x2: {  	[smem:$0x3F9F] =	sst lr;
	_ =	strace $0xD0000000  }
0x3: {  	_ = 	snop  }
0x4: {  	_ = 	snop  }
0x5: {  	_ = 	snop  }
0x6: {  	_ = 	snop  }
0x7: {  	_ = 	snop  }
__scs_overlays_trampoline_lowered:
0x8: {  	[smem:$0x3FAE] =	sst s0  }
0x9: {  	[smem:$0x3FAF] =	sst s1  }
0xa: {  	[smem:$0x3FB0] =	sst s2  }
0xb: {  	[smem:$0x3FB1] =	sst s3  }
0xc: {  	[smem:$0x3FB2] =	sst s4  }
0xd: {  	[smem:$0x3FB3] =	sst s5  }
0xe: {  	[smem:$0x3FB4] =	sst s6  }
0xf: {  	[smem:$0x3FB5] =	sst s7  }
0x10: {  	[smem:$0x3FB6] =	sst s8  }
0x11: {  	[smem:$0x3FB7] =	sst s9;
	s0 =	simm.s32 @!p0 $0x0  }
0x12: {  	s1 =	sld [smem:$0x3F9D];
	s0 =	simm.s32 @p0 $0x1  }
0x13: {  	[smem:$0x3FB8] =	sst s0;
	s0 =	simm.s32 @!p1 $0x0  }
0x14: {  	s2 =	sld [smem:$0x3F9C];
	s0 =	simm.s32 @p1 $0x1  }
0x15: {  	[smem:$0x3FB9] =	sst s0;
	s0 =	simm.s32 @!p2 $0x0  }
0x16: {  	s3 =	sld [smem:$0x3FDB];
	s0 =	simm.s32 @p2 $0x1  }
0x17: {  	s4 =	simm.s32 $0x1BF5;
	[smem:$0x3FBB] =	sst s0  }
0x18: {  	s0 =	sld [smem:$0x3F9E];
	_ =	swait.ge [sflag:s4], $0x0  }
0x19: {  	s7 =	sld [smem:$0x3F9F]  }
0x1a: {  	s8 =	sadd.s32 $0xFFFFE003, lr  }
0x1b: {  	s9 =	sadd.s32 $0xFFFFFEF7, lr;
	s5 =	simm.s32 $0xFFFFFFFF;
	p2 =	slt.u32 s8, $0xFFFFF086  }
0x1c: {  	p1 =	slt.u32 s9, $0xF7A;
	s5 =	simm.s32 @!p2 $0x0  }
0x1d: {  	s5 =	simm.s32 @p1 $0x1;
	p0 =	seq.s32 s7, s2  }
0x1e: {  	s7 =	smul.u32 @!p0 $0xF7A, s2;
	p2 =	seq.s32 @!p0 s5, $0x0  }
0x1f: {  	s9 =	smul.u32 $0xF7A, s1;
	s8 =	simm.s32 @!p0 $0x1BF5;
	p2 =	por !p2, p0  }
0x20: {  	[sflag:s8] =	ssyncset.s32 @!p0 $0xFFFFF086;
	s6 =	sadd.s32 @!p0 s3, s7;
	s7 =	simm.s32 @!p0 $0x108  }
0x21: {  	s3 =	sadd.s32 s3, s9;
	s6 =	sadd.s32 @!p0 $0x88, s6;
	s7 =	simm.s32 @p2 $0x1082  }
0x22: {  	[simem:s7], [sflag:s8] =	dma.local @!p0 [hbm:s6], $0xF7A  }
0x23: {  	s9 =	sor.u32 $0xD0000000, s2;
	s6 =	simm.s32 $0x108;
	_ =	swait.ge @!p0 [sflag:s8], $0x0  }
0x24: {  	s3 =	sadd.s32 $0x88, s3;
	s6 =	simm.s32 @!p1 $0x1082;
	[sflag:s4] =	ssyncset.s32 $0xFFFFF086  }
0x25: {  	[simem:s6], [sflag:s4] =	dma.local [hbm:s3], $0xF7A  }
0x26: {  	[smem:$0x3F9F] =	sst s1;
	(tag) =	ssettag s2;
	_ =	strace s9  }
0x27: {  	s1 =	sld [smem:$0x3FAF]  }
0x28: {  	s2 =	sld [smem:$0x3FB0]  }
0x29: {  	s4 =	sld [smem:$0x3FB2]  }
0x2a: {  	p0 =	seq.s32 s5, $0x0;
	s5 =	sld [smem:$0x3FB3]  }
0x2b: {  	s6 =	sld [smem:$0x3FB4]  }
0x2c: {  	s7 =	sld [smem:$0x3FB5]  }
0x2d: {  	s3 =	simm.s32 $0x108;
	s8 =	sld [smem:$0x3FB6]  }
0x2e: {  	s3 =	simm.s32 @!p0 $0x1082;
	s9 =	sld [smem:$0x3FB7]  }
0x2f: {  	lr =	sadd.s32 s0, s3;
	s0 =	sld [smem:$0x3FAE]  }
0x30: {  	s3 =	sld [smem:$0x3FB1]  }
0x31: {  	[smem:$0x3FBA] =	sst s10  }
0x32: {  	s10 =	sld [smem:$0x3FB8];
	_ =	sdelay $0x3  }
0x33: {  	p0 =	seq.s32 s10, $0x1;
	s10 =	sld [smem:$0x3FBA];
	_ =	sdelay $0x3  }
0x34: {  	[smem:$0x3FBA] =	sst s10  }
0x35: {  	s10 =	sld [smem:$0x3FB9];
	_ =	sdelay $0x3  }
0x36: {  	p1 =	seq.s32 s10, $0x1;
	s10 =	sld [smem:$0x3FBA];
	_ =	sdelay $0x3  }
0x37: {  	[smem:$0x3FBA] =	sst s10  }
0x38: {  	s10 =	sld [smem:$0x3FBB]  }
0x39: {  	_ = 	snop;
	(pc) =	sbr.ind lr, $3  }
0x3a: {  	_ = 	snop  }
0x3b: {  	_ = 	snop  }
0x3c: {  	p2 =	seq.s32 s10, $0x1;
	s10 =	sld [smem:$0x3FBA]  }
0x3d: {  	_ =	shalt  }
0x3e: {  	_ =	shalt  }
0x3f: {  	_ =	shalt  }
0x40: {  	_ =	shalt  }
0x41: {  	_ =	shalt  }
0x42: {  	_ =	shalt  }
0x43: {  	_ =	shalt  }
0x44: {  	_ =	shalt  }
0x45: {  	_ =	shalt  }
0x46: {  	_ =	shalt  }
0x47: {  	_ =	shalt  }
0x48: {  	_ =	shalt  }
0x49: {  	_ =	shalt  }
0x4a: {  	_ =	shalt  }
0x4b: {  	_ =	shalt  }
0x4c: {  	_ =	shalt  }
0x4d: {  	_ =	shalt  }
0x4e: {  	_ =	shalt  }
0x4f: {  	_ =	shalt  }
0x50: {  	_ =	shalt  }
0x51: {  	_ =	shalt  }
0x52: {  	_ =	shalt  }
0x53: {  	_ =	shalt  }
0x54: {  	_ =	shalt  }
0x55: {  	_ =	shalt  }
0x56: {  	_ =	shalt  }
0x57: {  	_ =	shalt  }
0x58: {  	_ =	shalt  }
0x59: {  	_ =	shalt  }
0x5a: {  	_ =	shalt  }
0x5b: {  	_ =	shalt  }
0x5c: {  	_ =	shalt  }
0x5d: {  	_ =	shalt  }
0x5e: {  	_ =	shalt  }
0x5f: {  	_ =	shalt  }
0x60: {  	_ =	shalt  }
0x61: {  	_ =	shalt  }
0x62: {  	_ =	shalt  }
0x63: {  	_ =	shalt  }
0x64: {  	_ =	shalt  }
0x65: {  	_ =	shalt  }
0x66: {  	_ =	shalt  }
0x67: {  	_ =	shalt  }
0x68: {  	_ =	shalt  }
0x69: {  	_ =	shalt  }
0x6a: {  	_ =	shalt  }
0x6b: {  	_ =	shalt  }
0x6c: {  	_ =	shalt  }
0x6d: {  	_ =	shalt  }
0x6e: {  	_ =	shalt  }
0x6f: {  	_ =	shalt  }
0x70: {  	_ =	shalt  }
0x71: {  	_ =	shalt  }
0x72: {  	_ =	shalt  }
0x73: {  	_ =	shalt  }
0x74: {  	_ =	shalt  }
0x75: {  	_ =	shalt  }
0x76: {  	_ =	shalt  }
0x77: {  	_ =	shalt  }
0x78: {  	_ =	shalt  }
0x79: {  	_ =	shalt  }
0x7a: {  	_ =	shalt  }
0x7b: {  	_ =	shalt  }
0x7c: {  	_ =	shalt  }
0x7d: {  	_ =	shalt  }
0x7e: {  	_ =	shalt  }
0x7f: {  	_ =	shalt  }
0x80: {  	_ =	shalt  }
0x81: {  	_ =	shalt  }
0x82: {  	_ =	shalt  }
0x83: {  	_ =	shalt  }
0x84: {  	_ =	shalt  }
0x85: {  	_ =	shalt  }
0x86: {  	_ =	shalt  }
0x87: {  	_ =	shalt  }
.Lfunc_end0:
.L_simem_size_0:
called_computation_lowered:
.L_overlay_start_0:
0x88: {  	s2 =	sld [smem:$0x3FD9]  }
0x89: {  	s3 =	sld [smem:$0x3FFE];
	_ =	sdelay $0x1  }
0x8a: {  	s1 =	srdreg.scid  }
0x8b: {  	s0 =	sand.u32 $0x1, s1  }
0x8c: {  	s17 =	sshll.u32 s0, $0xA;
	s2 =	sadd.s32 s3, s2  }
0x8d: {  	s2 =	sadd.s32 s2, s17  }
0x8e: {  	[smem:$0x3FC6] =	sst s2  }
0x8f: {  	_ = 	snop  }
0x90: {  	s2 =	sld [smem:$0x3FC8]  }
0x91: {  	s18 =	sld [smem:$0x3FD0];
	(tm) =	ssettm $0x1  }
0x92: {  	s4 =	sld [smem:$0x3FFB];
	_ =	sdelay $0x3  }
0x93: {  	_ =	strace s4  }
0x94: {  	s4 =	sld [smem:$0x3FFC];
	_ =	sdelay $0x3  }
0x95: {  	_ =	strace s4  }
0x96: {  	s4 =	sld [smem:$0x3FFD];
	_ =	sdelay $0x3  }
0x97: {  	_ =	strace s4  }
0x98: {  	_ =	strace $0x8FFFFFFF  }
0x99: {  	s19 =	sld [smem:$0x3FDB];
	_ =	sdelay $0x1  }
0x9a: {  	s5 =	simm.s32 $_scs_section_size  }
0x9b: {  	s6 =	simm.s32 $_size__tile_overlayer_lowered;
	s7 =	simm.s32 $_tile_overlayer_lowered  }
0x9c: {  	s22 =	simm.s32 $0x1BFF;
	s21 =	sshll.u32 s7, $0x1;
	s4 =	sadd.s32 s5, s19  }
0x9d: {  	s8 =	simm.s32 $0x0;
	s20 =	sshll.u32 s6, $0x1;
	s6 =	sadd.s32 s21, s4  }
0x9e: {  	[timem:s8], [sflag:s22] =	dma.local [hbm:s6], s20  }
0x9f: {  	_ =	swait.ge [sflag:s22], s20  }
0xa0: {  	s5 =	ssub.s32 $0x0, s20;
	[sflag:s22] =	ssyncset.done $0x0  }
0xa1: {  	[sflag:s22] =	ssyncadd.s32 s5;
	_ =	sdelay $0x1  }
0xa2: {  	s23 =	simm.s32 $0x1B8B  }
0xa3: {  	_ =	swait.ge [sflag:s23], $0x1  }
0xa4: {  	[sflag:s23] =	ssyncset.done $0x0  }
0xa5: {  	s25 =	simm.s32 $0x1B8E;
	s24 =	sld [smem:$0x3FFE];
	[sflag:s23] =	ssyncadd.s32 $0xFFFFFFFF  }
0xa6: {  	s26 =	simm.s32 $execute0_lowered;
	[smem:$0x3FD2] =	sst s25  }
0xa7: {  	s6 =	sshll.u32 s26, $0x1;
	_ =	strace $0x80000046;
	[dreg:$0x1] =	wrdreg $0xFFFFFFFF  }
0xa8: {  	s28 =	simm.s32 $_size_execute0_lowered;
	s4 =	sadd.s32 s4, s6;
	[dreg:$0x0] =	wrdreg $0x0  }
0xa9: {  	s6 =	sshll.u32 s28, $0x1;
	[dreg:$0x2] =	wrdreg s4  }
0xaa: {  	[dreg:$0x3] =	wrdreg s6  }
0xab: {  	[dreg:$0x4] =	wrdreg $0xC0  }
0xac: {  	_ =	task [dreg:s8], $0x5FFFF  }
0xad: {  	[dreg:$0x1] =	wrdreg $0xFFFFFFFF  }
0xae: {  	[dreg:$0x0] =	wrdreg $0x60  }
0xaf: {  	[dreg:$0x2] =	wrdreg s18  }
0xb0: {  	[dreg:$0x3] =	wrdreg s2  }
0xb1: {  	[dreg:$0x4] =	wrdreg s24  }
0xb2: {  	[dreg:$0x5] =	wrdreg $0x9  }
0xb3: {  	_ =	task.clear_ibuf [dreg:s8], $0x6FFFF;
	_ =	strace $0x90000046  }
0xb4: {  	s29 =	simm.s32 $0x9;
	_ =	strace $0x80000048  }
0xb5: {  	_ =	swait.ge [sflag:s29], $0x1  }
0xb6: {  	[sflag:s29] =	ssyncadd.s32 $0xFFFFFFFF  }
0xb7: {  	_ =	strace $0x90000048  }
0xb8: {  	_ =	sfence  }
0xb9: {  	s30 =	sld [smem:$0x0];
	_ =	sdelay $0x2  }
0xba: {  	s31 =	sshll.u32 s1, $0xD;
	s1 =	sshrl.u32 s1, $0x2  }
0xbb: {  	s3 =	sand.u32 $0x4000, s31;
	s1 =	sadd.s32 s1, s30  }
0xbc: {  	s0 =	sor.u32 s3, s0;
	s1 =	sshll.u32 s1, $0x11  }
0xbd: {  	s0 =	sor.u32 s1, s0  }
0xbe: {  	s0 =	sadd.s32 $0x8F2B, s0  }
0xbf: {  	[sflag:s0] =	ssyncadd.remote.s32 $0x1  }
0xc0: {  	_ =	sfence.sel $0xFFFF  }
0xc1: {  	[dreg:$0x0] =	wrdreg $0xFFFFFFFF;
	(pc) =	sbr.abs _section_cstart, $3  }
0xc2: {  	[dreg:$0x1] =	wrdreg $0xFFFFFFFF  }
0xc3: {  	_ =	task.clear_ibuf [dreg:s8], $0x2FFFF;
	_ =	strace $0x9FFFFFFF  }
0xc4: {  	(tm) =	ssettm $0x7FFFFFFF  }
0xc5: {  	_ =	shalt  }
tec
execute0_lowered:
.L_overlay_start_1:
0x0: {  	(tag) =	ssettag $0x1  }
0x1: {  	s4 =	rddreg [dreg:$0x0]  }
0x2: {  	s2 =	rddreg [dreg:$0x1]  }
0x3: {  	s5 =	rddreg [dreg:$0x2]  }
0x4: {  	s0 =	rddreg [dreg:$0x3];
	s6 =	srdreg.scid  }
0x5: {  	s1 =	stileid.u32;
	s3 =	simm.s32 $0x0;
	s9 =	simm.s32 $0x1A00  }
0x6: {  	s10 =	simm.s32 $0x4E00;
	s11 =	simm.s32 $0xD0;
	s12 =	simm.s32 $0x8200  }
0x7: {  	s13 =	simm.s32 $0xB600;
	s14 =	simm.s32 $0x1;
	s15 =	simm.s32 $0x2  }
0x8: {  	s16 =	simm.s32 $0x3;
	s17 =	simm.s32 $0x4;
	s18 =	simm.s32 $0x1998  }
0x9: {  	s19 =	simm.s32 $0xEA00;
	s6 =	sand.u32 $0x1, s6;
	s7 =	sshll.u32 s1, $0x1  }
0xa: {  	s20 =	simm.s32 $0x0;
	[smem:$0x7FF] =	sst s3;
	s7 =	sor.u32 s6, s7  }
0xb: {  	s6 =	ssub.s32 $0x2, s6;
	s8 =	sshll.u32 s7, $0xB;
	s7 =	smul.u32 $0x340, s7  }
0xc: {  	_ =	strace $0x80000047;
	s31 =	sshrl.u32 s6, $0x1;
	s5 =	sadd.s32 s8, s5  }
0xd: {  	s6 =	ssub.s32 s6, s31;
	s8 =	simm.s32 $0x68;
	s4 =	sadd.s32 s4, s7  }
0xe: {  	s5 =	sadd.s32 $0x400, s5;
	s6 =	smax.u32 s6, $0x1;
	s7 =	simm.s32 $0x5  }
.LBB2_1:
0xf: {  	[tilespmem:s3], [sflag:$0x5] =	stream.linear.gather [hbm4b:s4+s3], $0x1A00, $0x38;
	[tilespmem:$0x12A00] =	vst v63  }
0x10: {  	_ =	swait.ge [sflag:s7], $0x1A00  }
0x11: {  	[sflag:s7] =	ssyncset.done $0x0  }
0x12: {  	[sflag:s7] =	ssyncadd.s32 $0xFFFFE600  }
0x13: {  	[tilespmem:s9], [sflag:$0x1] =	stream.indirect.gather [hbm4b:s2+s8], $0x80, s3, s8, $0xb8;
	[tilespmem:$0x12A00] =	vst v63  }
0x14: {  	_ = 	snop  }
0x15: {  	[tilespmem:s10], [sflag:$0x2] =	stream.indirect.gather [hbm4b:s2+s8], $0x80, s8, s8, $0xb8;
	[tilespmem:$0x12A00] =	vst v63  }
0x16: {  	_ = 	snop  }
0x17: {  	[tilespmem:s12], [sflag:$0x3] =	stream.indirect.gather [hbm4b:s2+s8], $0x80, s11, s8, $0xb8;
	[tilespmem:$0x12A00] =	vst v63  }
0x18: {  	s21 =	simm.s32 $0x138  }
0x19: {  	[tilespmem:s13], [sflag:$0x4] =	stream.indirect.gather [hbm4b:s2+s8], $0x80, s21, s8, $0xb8;
	[tilespmem:$0x12A00] =	vst v63  }
0x1a: {  	_ =	swait.ge [sflag:s14], $0x3400  }
0x1b: {  	[sflag:s14] =	ssyncset.done $0x0  }
0x1c: {  	s29 =	simm.s32 $0x1A0;
	[sflag:s14] =	ssyncadd.s32 $0xFFFFCC00  }
0x1d: {  	[tilespmem:s9], [sflag:$0x1] =	stream.indirect.gather [hbm4b:s2+s8], $0x80, s29, s8, $0xb8;
	[tilespmem:$0x12A00] =	vst v63  }
0x1e: {  	_ =	swait.ge [sflag:s15], $0x3400  }
0x1f: {  	[sflag:s15] =	ssyncset.done $0x0  }
0x20: {  	s30 =	simm.s32 $0x208;
	[sflag:s15] =	ssyncadd.s32 $0xFFFFCC00  }
0x21: {  	[tilespmem:s10], [sflag:$0x2] =	stream.indirect.gather [hbm4b:s2+s8], $0x80, s30, s8, $0xb8;
	[tilespmem:$0x12A00] =	vst v63  }
0x22: {  	_ =	swait.ge [sflag:s16], $0x3400  }
0x23: {  	[sflag:s16] =	ssyncset.done $0x0  }
0x24: {  	s31 =	simm.s32 $0x270;
	[sflag:s16] =	ssyncadd.s32 $0xFFFFCC00  }
0x25: {  	[tilespmem:s12], [sflag:$0x3] =	stream.indirect.gather [hbm4b:s2+s8], $0x80, s31, s8, $0xb8;
	[tilespmem:$0x12A00] =	vst v63  }
0x26: {  	_ =	swait.ge [sflag:s17], $0x3400  }
0x27: {  	s22 =	simm.s32 $0xFFFFAB80;
	s21 =	simm.s32 $0xFFFFE940;
	[sflag:s17] =	ssyncset.done $0x0  }
.LBB2_2:
0x28: {  	s23 =	sadd.s32 $0x1998, s21  }
0x29: {  	[sflag:s17] =	ssyncadd.s32 $0xFFFFCC00;
	s24 =	smov.u32 s22;
	s25 =	sadd.s32 $0x680, s22  }
0x2a: {  	[tilespmem:s13], [sflag:$0x4] =	stream.indirect.gather [hbm4b:s2+s8], $0x80, s23, s8, $0xb8;
	[tilespmem:$0x12A00] =	vst v63  }
0x2b: {  	p0 =	sne.s32 s22, $0xFFFFF980;
	_ =	swait.ge [sflag:s14], $0x3400  }
0x2c: {  	[sflag:s14] =	ssyncset.done $0x0  }
0x2d: {  	s22 =	sadd.s32 $0x1A00, s21;
	[sflag:s14] =	ssyncadd.s32 $0xFFFFCC00  }
0x2e: {  	[tilespmem:s9], [sflag:$0x1] =	stream.indirect.gather [hbm4b:s2+s8], $0x80, s22, s8, $0xb8;
	[tilespmem:$0x12A00] =	vst v63  }
0x2f: {  	_ =	swait.ge [sflag:s15], $0x3400  }
0x30: {  	[sflag:s15] =	ssyncset.done $0x0  }
0x31: {  	s22 =	sadd.s32 $0x1A68, s21;
	[sflag:s15] =	ssyncadd.s32 $0xFFFFCC00  }
0x32: {  	[tilespmem:s10], [sflag:$0x2] =	stream.indirect.gather [hbm4b:s2+s8], $0x80, s22, s8, $0xb8;
	[tilespmem:$0x12A00] =	vst v63  }
0x33: {  	_ =	swait.ge [sflag:s16], $0x3400  }
.Ltmp0:
0x34: {  	[sflag:s16] =	ssyncset.done $0x0;
	(pc) =	sbr.rel @p0 .LBB2_2-.Ltmp0, $4  }
0x35: {  	s21 =	sadd.s32 $0x1AD0, s21;
	[sflag:s16] =	ssyncadd.s32 $0xFFFFCC00  }
0x36: {  	[tilespmem:s12], [sflag:$0x3] =	stream.indirect.gather [hbm4b:s2+s8], $0x80, s21, s8, $0xb8;
	[tilespmem:$0x12A00] =	vst v63  }
0x37: {  	_ =	swait.ge [sflag:s17], $0x3400  }
0x38: {  	s22 =	smov.u32 s25;
	s21 =	sshra.s32 s24, $0x2;
	[sflag:s17] =	ssyncset.done $0x0  }
0x39: {  	s22 =	sadd.s32 $0x1998, s21;
	[sflag:s17] =	ssyncadd.s32 $0xFFFFCC00  }
0x3a: {  	[tilespmem:s13], [sflag:$0x4] =	stream.indirect.gather [hbm4b:s2+s8], $0x80, s22, s8, $0xb8;
	[tilespmem:$0x12A00] =	vst v63  }
0x3b: {  	_ =	swait.ge [sflag:s14], $0x3400  }
0x3c: {  	[sflag:s14] =	ssyncset.done $0x0  }
0x3d: {  	s29 =	sadd.s32 $0x1A00, s21;
	[sflag:s14] =	ssyncadd.s32 $0xFFFFCC00  }
0x3e: {  	[tilespmem:s9], [sflag:$0x1] =	stream.indirect.gather [hbm4b:s2+s8], $0x80, s29, s8, $0xb8;
	[tilespmem:$0x12A00] =	vst v63  }
0x3f: {  	_ =	swait.ge [sflag:s15], $0x3400  }
0x40: {  	[sflag:s15] =	ssyncset.done $0x0  }
0x41: {  	s30 =	sadd.s32 $0x1A68, s21;
	[sflag:s15] =	ssyncadd.s32 $0xFFFFCC00  }
0x42: {  	[tilespmem:s10], [sflag:$0x2] =	stream.indirect.gather [hbm4b:s2+s8], $0x80, s30, s8, $0xb8;
	[tilespmem:$0x12A00] =	vst v63  }
0x43: {  	_ =	swait.ge [sflag:s16], $0x3400  }
0x44: {  	[sflag:s16] =	ssyncset.done $0x0  }
0x45: {  	s31 =	sadd.s32 $0x1AD0, s21;
	[sflag:s16] =	ssyncadd.s32 $0xFFFFCC00  }
0x46: {  	[tilespmem:s12], [sflag:$0x3] =	stream.indirect.gather [hbm4b:s2+s8], $0x80, s31, s8, $0xb8;
	[tilespmem:$0x12A00] =	vst v63  }
0x47: {  	_ =	swait.ge [sflag:s17], $0x3400  }
0x48: {  	[sflag:s17] =	ssyncset.done $0x0  }
0x49: {  	[sflag:s17] =	ssyncadd.s32 $0xFFFFCC00  }
0x4a: {  	[tilespmem:s13], [sflag:$0x4] =	stream.indirect.gather [hbm4b:s2+s8], $0x80, s18, s8, $0xb8;
	[tilespmem:$0x12A00] =	vst v63  }
0x4b: {  	_ =	swait.ge [sflag:s14], $0x3400  }
0x4c: {  	[sflag:s14] =	ssyncset.done $0x0  }
0x4d: {  	[sflag:s14] =	ssyncadd.s32 $0xFFFFCC00  }
0x4e: {  	[tilespmem:s9], [sflag:$0x1] =	stream.indirect.gather [hbm4b:s2+s8], $0x80, s18, s8, $0xb8;
	[tilespmem:$0x12A00] =	vst v63  }
0x4f: {  	_ =	swait.ge [sflag:s15], $0x3400  }
0x50: {  	[sflag:s15] =	ssyncset.done $0x0  }
0x51: {  	[sflag:s15] =	ssyncadd.s32 $0xFFFFCC00  }
0x52: {  	[tilespmem:s10], [sflag:$0x2] =	stream.indirect.gather [hbm4b:s2+s8], $0x80, s18, s8, $0xb8;
	[tilespmem:$0x12A00] =	vst v63  }
0x53: {  	_ =	swait.ge [sflag:s16], $0x3400  }
0x54: {  	[sflag:s16] =	ssyncset.done $0x0  }
0x55: {  	[sflag:s16] =	ssyncadd.s32 $0xFFFFCC00  }
0x56: {  	[tilespmem:s12], [sflag:$0x3] =	stream.indirect.gather [hbm4b:s2+s8], $0x80, s18, s8, $0xb8;
	[tilespmem:$0x12A00] =	vst v63  }
0x57: {  	_ =	swait.ge [sflag:s17], $0x3400  }
0x58: {  	[sflag:s17] =	ssyncset.done $0x0  }
0x59: {  	[sflag:s17] =	ssyncadd.s32 $0xFFFFCC00  }
0x5a: {  	_ =	swait.ge [sflag:s14], $0x3400  }
0x5b: {  	[sflag:s14] =	ssyncset.done $0x0  }
0x5c: {  	[sflag:s14] =	ssyncadd.s32 $0xFFFFCC00  }
0x5d: {  	_ =	swait.ge [sflag:s15], $0x3400  }
0x5e: {  	[sflag:s15] =	ssyncset.done $0x0  }
0x5f: {  	[sflag:s15] =	ssyncadd.s32 $0xFFFFCC00  }
0x60: {  	s20 =	sadd.s32 $0x1, s20;
	_ =	swait.ge [sflag:s16], $0x3400  }
0x61: {  	p0 =	sne.s32 s20, s6;
	[sflag:s16] =	ssyncset.done $0x0  }
.Ltmp1:
0x62: {  	[sflag:s16] =	ssyncadd.s32 $0xFFFFCC00;
	(pc) =	sbr.rel @p0 .LBB2_1-.Ltmp1, $4  }
0x63: {  	[hbm4b:s5+s3] =	stream.linear.scatter [tilespmem:s19], [sflag:$0x5], $0x4000, $0x38;
	[tilespmem:$0x12A00] =	vst v63  }
0x64: {  	_ =	swait.ge [sflag:s7], $0x4000  }
0x65: {  	[sflag:s7] =	ssyncset.done $0x0  }
0x66: {  	[sflag:s7] =	ssyncadd.s32 $0xFFFFC000  }
0x67: {  	_ =	sfence.sel $0x180000  }
0x68: {  	[bflag:$0x0] =	sbarrier.arrive $0xFFFF  }
0x69: {  	p0 =	sne.s32 s1, $0x0;
	_ =	strace $0x90000047  }
0x6a: {  	s0 =	sadd.s32 @!p0 $0x100000, s0;
	[bflag:$0x2] =	sbarrier.arrive $0xFFFF  }
0x6b: {  	[sflag:s0] =	ssyncadd.tile.s32 @!p0 $0x1;
	_ =	shalt  }
.Lfunc_end2:
_tile_overlayer_lowered:
.L_overlay_start_2:
0x6c: {  	(tag) =	ssettag $0x2  }
0x6d: {  	s0 =	rddreg [dreg:$0x0];
	s2 =	stileid.u32  }
0x6e: {  	s1 =	rddreg [dreg:$0x1];
	p0 =	sne.s32 s2, $0x0  }
0x6f: {  	s3 =	rddreg [dreg:$0x2];
	[bflag:$0x3] =	sbarrier.arrive $0xFFFF;
	s2 =	simm.s32 @!p0 $0x1C05  }
0x70: {  	[timem:s3], [sflag:s2] =	dma.local @!p0 [hbm:s0], s1  }
0x71: {  	s0 =	simm.s32 @!p0 $0x5  }
0x72: {  	_ =	swait.ge @!p0 [sflag:s0], s1  }
0x73: {  	s1 =	ssub.s32 @!p0 $0x0, s1;
	[sflag:s0] =	ssyncset.done @!p0 $0x0  }
0x74: {  	[sflag:s0] =	ssyncadd.s32 @!p0 s1  }
0x75: {  	[bflag:$0x3] =	sbarrier.arrive $0xFFFF  }
0x76: {  	_ =	shalt  }

</sc_bundles>
